<compile_context>
chip_gen: v7x
topology: tpu7x:2x2x1
jax: 0.10.2.dev20260603
libtpu: 0.0.44.dev20260713+nightly
codegen_flags: <defaults>
</compile_context>

<pallas_src>
import jax
import jax.numpy as jnp
from jax import lax
from jax.experimental import pallas as pl
from jax.experimental.pallas import tpu as pltpu
import jax.experimental.pallas.tpu_sc as plsc

_L = 16


def _bias_sc_kernel(row_hbm, col_hbm, bias_hbm, row_v, col_v, out_v):
    nc = 2
    wid = lax.axis_index("s") * nc + lax.axis_index("c")
    for t in range(2):
        p = wid * 2 + t
        r = p // 8
        c = p - 8 * r
        pltpu.sync_copy(row_hbm.at[r], row_v)
        pltpu.sync_copy(col_hbm.at[c], col_v)
        for j in range(128 // _L):
            sl = pl.ds(j * _L, _L)
            out_v[sl] = row_v[sl] + col_v[sl]
        pltpu.sync_copy(out_v, bias_hbm.at[p])


def _compute_bias(row_emb, col_emb):
    d = row_emb.shape[1]
    return pl.kernel(
        _bias_sc_kernel,
        out_type=jax.ShapeDtypeStruct((64, d), jnp.float32),
        mesh=plsc.VectorSubcoreMesh(core_axis_name="c", subcore_axis_name="s"),
        scratch_types=[
            pltpu.VMEM((d,), jnp.float32),
            pltpu.VMEM((d,), jnp.float32),
            pltpu.VMEM((d,), jnp.float32),
        ],
    )(row_emb, col_emb)


def _add_bias_kernel(x_ref, b_ref, o_ref):
    o_ref[...] = x_ref[...] + b_ref[...][None]


def kernel(x, row_emb, col_emb):
    n, s, d = x.shape
    bias = _compute_bias(row_emb, col_emb).reshape(8, 8, d)
    x4 = x.reshape(n, 8, 8, d)
    blk = 256
    grid = (n // blk,)
    out = pl.pallas_call(
        _add_bias_kernel,
        grid=grid,
        in_specs=[
            pl.BlockSpec((blk, 8, 8, d), lambda i: (i, 0, 0, 0)),
            pl.BlockSpec((8, 8, d), lambda i: (0, 0, 0)),
        ],
        out_specs=pl.BlockSpec((blk, 8, 8, d), lambda i: (i, 0, 0, 0)),
        out_shape=jax.ShapeDtypeStruct((n, 8, 8, d), x.dtype),
        compiler_params=pltpu.CompilerParams(
            dimension_semantics=("parallel",),
        ),
    )(x4, bias)
    return out.reshape(n, s, d)

# --- scband reference (transcript-rebuilt; emitter-appended) ---
"""Pipeline reference for scband-token-and-position-embedding-70686571757972 (READ-ONLY COPY).

The authoritative reference and input builder live on the scoring server;
editing this copy changes nothing except your own understanding.
"""

import jax, jax.numpy as jnp
import numpy as np


def setup_inputs(seed: int = 0) -> dict:
    key = jax.random.key(seed)
    k1, k2, k3 = jax.random.split(key, 3)
    x = jax.random.normal(k1, (4096, 64, 128), dtype=jnp.float32)
    row_emb = jax.random.normal(k2, (8, 128), dtype=jnp.float32) * 0.05
    col_emb = jax.random.normal(k3, (8, 128), dtype=jnp.float32) * 0.05
    return {"x": x, "row_emb": row_emb, "col_emb": col_emb}


def reference(x, row_emb, col_emb):
    positions = jnp.arange(0, 64, dtype=jnp.int32)
    r = jnp.take(row_emb, positions // 8, axis=0)  # [64, d_model]
    c = jnp.take(col_emb, positions % 8, axis=0)   # [64, d_model]
    return x + r.astype(x.dtype) + c.astype(x.dtype)

if __name__ == "__main__":
    import jax
    _d = setup_inputs()
    print(jax.jit(kernel)(*tuple(_d.values())))

</pallas_src>

<mosaic_0001>
#map = affine_map<(d0, d1) -> (0, 0)>
module attributes {stable_mosaic.version = 14 : i64} {
  func.func @_bias_sc_kernel(%arg0: i32, %arg1: i32, %arg2: memref<8x128xf32, #tpu.memory_space<hbm>>, %arg3: memref<8x128xf32, #tpu.memory_space<hbm>>, %arg4: memref<64x128xf32, #tpu.memory_space<hbm>>, %arg5: memref<128xf32, #tpu.memory_space<vmem>>, %arg6: memref<128xf32, #tpu.memory_space<vmem>>, %arg7: memref<128xf32, #tpu.memory_space<vmem>>) attributes {dimension_semantics = [#tpu.dimension_semantics<core_parallel>, #tpu.dimension_semantics<subcore_parallel>], iteration_bounds = array<i64: 2, 16>, scalar_prefetch = 0 : i64, scratch_operands = 3 : i64, tpu.core_type = #tpu.core_type<sc_vector_subcore>, window_params = [{transform_indices = #map}, {transform_indices = #map}, {transform_indices = #map}]} {
    %mul3A = arith.constant 2 : i32
    %mul3A_0 = arith.muli %arg1, %mul3A : i32
    %add3A = arith.addi %mul3A_0, %arg0 : i32
    %mul3A_1 = arith.constant 2 : i32
    %mul3A_2 = arith.muli %add3A, %mul3A_1 : i32
    %add3A_3 = arith.constant 0 : i32
    %add3A_4 = arith.addi %mul3A_2, %add3A_3 : i32
    %jit3A = arith.constant 8 : i32
    %div3A = arith.divsi %add3A_4, %jit3A : i32
    %sign3A = arith.constant 0 : i32
    %sign3A_5 = arith.cmpi sgt, %add3A_4, %sign3A : i32
    %sign3A_6 = arith.extui %sign3A_5 : i1 to i32
    %sign3A_7 = arith.constant 0 : i32
    %sign3A_8 = arith.cmpi slt, %add3A_4, %sign3A_7 : i32
    %sign3A_9 = arith.extui %sign3A_8 : i1 to i32
    %sign3A_10 = arith.subi %sign3A_6, %sign3A_9 : i32
    %sign3A_11 = arith.constant 0 : i32
    %sign3A_12 = arith.cmpi sgt, %jit3A, %sign3A_11 : i32
    %sign3A_13 = arith.extui %sign3A_12 : i1 to i32
    %sign3A_14 = arith.constant 0 : i32
    %sign3A_15 = arith.cmpi slt, %jit3A, %sign3A_14 : i32
    %sign3A_16 = arith.extui %sign3A_15 : i1 to i32
    %sign3A_17 = arith.subi %sign3A_13, %sign3A_16 : i32
    %ne3A = arith.cmpi ne, %sign3A_10, %sign3A_17 : i32
    %rem3A = arith.remsi %add3A_4, %jit3A : i32
    %ne3A_18 = arith.constant 0 : i32
    %ne3A_19 = arith.cmpi ne, %rem3A, %ne3A_18 : i32
    %and3A = arith.andi %ne3A, %ne3A_19 : i1
    %sub3A = arith.constant 1 : i32
    %sub3A_20 = arith.subi %div3A, %sub3A : i32
    %select_n3A = arith.select %and3A, %sub3A_20, %div3A : i32
    %mul3A_21 = arith.constant 8 : i32
    %mul3A_22 = arith.muli %mul3A_21, %select_n3A : i32
    %sub3A_23 = arith.subi %add3A_4, %mul3A_22 : i32
    "tpu.region"() ({
      %run_scoped3A = tpu.sem_alloc : memref<!tpu.dma_semaphore, #tpu.memory_space<semaphore_mem>>
      %dma_start3A = arith.constant 0 : i32
      %dma_start3A_229 = tpu.memref_slice %arg2[%select_n3A, %dma_start3A] : memref<8x128xf32, #tpu.memory_space<hbm>> -> memref<1x128xf32, #tpu.memory_space<hbm>>
      %dma_start3A_230 = tpu.memref_squeeze %dma_start3A_229 : memref<1x128xf32, #tpu.memory_space<hbm>> -> memref<128xf32, #tpu.memory_space<hbm>>
      %dma_start3A_231 = arith.constant 0 : i32
      %dma_start3A_232 = tpu.memref_slice %arg2[%select_n3A, %dma_start3A_231] : memref<8x128xf32, #tpu.memory_space<hbm>> -> memref<1x128xf32, #tpu.memory_space<hbm>>
      %dma_start3A_233 = tpu.memref_squeeze %dma_start3A_232 : memref<1x128xf32, #tpu.memory_space<hbm>> -> memref<128xf32, #tpu.memory_space<hbm>>
      tpu.enqueue_dma source(%dma_start3A_233 : memref<128xf32, #tpu.memory_space<hbm>>) target(%arg5 : memref<128xf32, #tpu.memory_space<vmem>>) target_semaphore(%run_scoped3A : memref<!tpu.dma_semaphore, #tpu.memory_space<semaphore_mem>>)
      %dma_wait3A = arith.constant 0 : i32
      %dma_wait3A_234 = tpu.memref_slice %arg2[%select_n3A, %dma_wait3A] : memref<8x128xf32, #tpu.memory_space<hbm>> -> memref<1x128xf32, #tpu.memory_space<hbm>>
      %dma_wait3A_235 = tpu.memref_squeeze %dma_wait3A_234 : memref<1x128xf32, #tpu.memory_space<hbm>> -> memref<128xf32, #tpu.memory_space<hbm>>
      %dma_wait3A_236 = arith.constant 0 : i32
      %dma_wait3A_237 = tpu.memref_slice %arg2[%select_n3A, %dma_wait3A_236] : memref<8x128xf32, #tpu.memory_space<hbm>> -> memref<1x128xf32, #tpu.memory_space<hbm>>
      %dma_wait3A_238 = tpu.memref_squeeze %dma_wait3A_237 : memref<1x128xf32, #tpu.memory_space<hbm>> -> memref<128xf32, #tpu.memory_space<hbm>>
      tpu.wait_dma2 semaphore(%run_scoped3A : memref<!tpu.dma_semaphore, #tpu.memory_space<semaphore_mem>>) src(%dma_wait3A_238 : memref<128xf32, #tpu.memory_space<hbm>>) dst(%arg5 : memref<128xf32, #tpu.memory_space<vmem>>)
      tpu.yield
    }) : () -> ()
    "tpu.region"() ({
      %run_scoped3A = tpu.sem_alloc : memref<!tpu.dma_semaphore, #tpu.memory_space<semaphore_mem>>
      %dma_start3A = arith.constant 0 : i32
      %dma_start3A_229 = tpu.memref_slice %arg3[%sub3A_23, %dma_start3A] : memref<8x128xf32, #tpu.memory_space<hbm>> -> memref<1x128xf32, #tpu.memory_space<hbm>>
      %dma_start3A_230 = tpu.memref_squeeze %dma_start3A_229 : memref<1x128xf32, #tpu.memory_space<hbm>> -> memref<128xf32, #tpu.memory_space<hbm>>
      %dma_start3A_231 = arith.constant 0 : i32
      %dma_start3A_232 = tpu.memref_slice %arg3[%sub3A_23, %dma_start3A_231] : memref<8x128xf32, #tpu.memory_space<hbm>> -> memref<1x128xf32, #tpu.memory_space<hbm>>
      %dma_start3A_233 = tpu.memref_squeeze %dma_start3A_232 : memref<1x128xf32, #tpu.memory_space<hbm>> -> memref<128xf32, #tpu.memory_space<hbm>>
      tpu.enqueue_dma source(%dma_start3A_233 : memref<128xf32, #tpu.memory_space<hbm>>) target(%arg6 : memref<128xf32, #tpu.memory_space<vmem>>) target_semaphore(%run_scoped3A : memref<!tpu.dma_semaphore, #tpu.memory_space<semaphore_mem>>)
      %dma_wait3A = arith.constant 0 : i32
      %dma_wait3A_234 = tpu.memref_slice %arg3[%sub3A_23, %dma_wait3A] : memref<8x128xf32, #tpu.memory_space<hbm>> -> memref<1x128xf32, #tpu.memory_space<hbm>>
      %dma_wait3A_235 = tpu.memref_squeeze %dma_wait3A_234 : memref<1x128xf32, #tpu.memory_space<hbm>> -> memref<128xf32, #tpu.memory_space<hbm>>
      %dma_wait3A_236 = arith.constant 0 : i32
      %dma_wait3A_237 = tpu.memref_slice %arg3[%sub3A_23, %dma_wait3A_236] : memref<8x128xf32, #tpu.memory_space<hbm>> -> memref<1x128xf32, #tpu.memory_space<hbm>>
      %dma_wait3A_238 = tpu.memref_squeeze %dma_wait3A_237 : memref<1x128xf32, #tpu.memory_space<hbm>> -> memref<128xf32, #tpu.memory_space<hbm>>
      tpu.wait_dma2 semaphore(%run_scoped3A : memref<!tpu.dma_semaphore, #tpu.memory_space<semaphore_mem>>) src(%dma_wait3A_238 : memref<128xf32, #tpu.memory_space<hbm>>) dst(%arg6 : memref<128xf32, #tpu.memory_space<vmem>>)
      tpu.yield
    }) : () -> ()
    %get3A = arith.constant 0 : index
    %get3A_24 = tpu.vector_load %arg5[%get3A] {strides = array<i32>} : memref<128xf32, #tpu.memory_space<vmem>>, vector<16xf32>,
    %get3A_25 = vector.shape_cast %get3A_24 : vector<16xf32> to vector<16xf32>
    %get3A_26 = arith.constant 0 : index
    %get3A_27 = tpu.vector_load %arg6[%get3A_26] {strides = array<i32>} : memref<128xf32, #tpu.memory_space<vmem>>, vector<16xf32>,
    %get3A_28 = vector.shape_cast %get3A_27 : vector<16xf32> to vector<16xf32>
    %add3A_29 = arith.addf %get3A_25, %get3A_28 : vector<16xf32>
    %swap3A = arith.constant 0 : index
    %swap3A_30 = tpu.vector_load %arg7[%swap3A] {strides = array<i32>} : memref<128xf32, #tpu.memory_space<vmem>>, vector<16xf32>,
    %swap3A_31 = vector.shape_cast %swap3A_30 : vector<16xf32> to vector<16xf32>
    %swap3A_32 = vector.shape_cast %add3A_29 : vector<16xf32> to vector<16xf32>
    tpu.vector_store %arg7[%swap3A], %swap3A_32 {strides = array<i32>} : memref<128xf32, #tpu.memory_space<vmem>>, vector<16xf32>,
    %get3A_33 = arith.constant 16 : index
    %get3A_34 = tpu.vector_load %arg5[%get3A_33] {strides = array<i32>} : memref<128xf32, #tpu.memory_space<vmem>>, vector<16xf32>,
    %get3A_35 = vector.shape_cast %get3A_34 : vector<16xf32> to vector<16xf32>
    %get3A_36 = arith.constant 16 : index
    %get3A_37 = tpu.vector_load %arg6[%get3A_36] {strides = array<i32>} : memref<128xf32, #tpu.memory_space<vmem>>, vector<16xf32>,
    %get3A_38 = vector.shape_cast %get3A_37 : vector<16xf32> to vector<16xf32>
    %add3A_39 = arith.addf %get3A_35, %get3A_38 : vector<16xf32>
    %swap3A_40 = arith.constant 16 : index
    %swap3A_41 = tpu.vector_load %arg7[%swap3A_40] {strides = array<i32>} : memref<128xf32, #tpu.memory_space<vmem>>, vector<16xf32>,
    %swap3A_42 = vector.shape_cast %swap3A_41 : vector<16xf32> to vector<16xf32>
    %swap3A_43 = vector.shape_cast %add3A_39 : vector<16xf32> to vector<16xf32>
    tpu.vector_store %arg7[%swap3A_40], %swap3A_43 {strides = array<i32>} : memref<128xf32, #tpu.memory_space<vmem>>, vector<16xf32>,
    %get3A_44 = arith.constant 32 : index
    %get3A_45 = tpu.vector_load %arg5[%get3A_44] {strides = array<i32>} : memref<128xf32, #tpu.memory_space<vmem>>, vector<16xf32>,
    %get3A_46 = vector.shape_cast %get3A_45 : vector<16xf32> to vector<16xf32>
    %get3A_47 = arith.constant 32 : index
    %get3A_48 = tpu.vector_load %arg6[%get3A_47] {strides = array<i32>} : memref<128xf32, #tpu.memory_space<vmem>>, vector<16xf32>,
    %get3A_49 = vector.shape_cast %get3A_48 : vector<16xf32> to vector<16xf32>
    %add3A_50 = arith.addf %get3A_46, %get3A_49 : vector<16xf32>
    %swap3A_51 = arith.constant 32 : index
    %swap3A_52 = tpu.vector_load %arg7[%swap3A_51] {strides = array<i32>} : memref<128xf32, #tpu.memory_space<vmem>>, vector<16xf32>,
    %swap3A_53 = vector.shape_cast %swap3A_52 : vector<16xf32> to vector<16xf32>
    %swap3A_54 = vector.shape_cast %add3A_50 : vector<16xf32> to vector<16xf32>
    tpu.vector_store %arg7[%swap3A_51], %swap3A_54 {strides = array<i32>} : memref<128xf32, #tpu.memory_space<vmem>>, vector<16xf32>,
    %get3A_55 = arith.constant 48 : index
    %get3A_56 = tpu.vector_load %arg5[%get3A_55] {strides = array<i32>} : memref<128xf32, #tpu.memory_space<vmem>>, vector<16xf32>,
    %get3A_57 = vector.shape_cast %get3A_56 : vector<16xf32> to vector<16xf32>
    %get3A_58 = arith.constant 48 : index
    %get3A_59 = tpu.vector_load %arg6[%get3A_58] {strides = array<i32>} : memref<128xf32, #tpu.memory_space<vmem>>, vector<16xf32>,
    %get3A_60 = vector.shape_cast %get3A_59 : vector<16xf32> to vector<16xf32>
    %add3A_61 = arith.addf %get3A_57, %get3A_60 : vector<16xf32>
    %swap3A_62 = arith.constant 48 : index
    %swap3A_63 = tpu.vector_load %arg7[%swap3A_62] {strides = array<i32>} : memref<128xf32, #tpu.memory_space<vmem>>, vector<16xf32>,
    %swap3A_64 = vector.shape_cast %swap3A_63 : vector<16xf32> to vector<16xf32>
    %swap3A_65 = vector.shape_cast %add3A_61 : vector<16xf32> to vector<16xf32>
    tpu.vector_store %arg7[%swap3A_62], %swap3A_65 {strides = array<i32>} : memref<128xf32, #tpu.memory_space<vmem>>, vector<16xf32>,
    %get3A_66 = arith.constant 64 : index
    %get3A_67 = tpu.vector_load %arg5[%get3A_66] {strides = array<i32>} : memref<128xf32, #tpu.memory_space<vmem>>, vector<16xf32>,
    %get3A_68 = vector.shape_cast %get3A_67 : vector<16xf32> to vector<16xf32>
    %get3A_69 = arith.constant 64 : index
    %get3A_70 = tpu.vector_load %arg6[%get3A_69] {strides = array<i32>} : memref<128xf32, #tpu.memory_space<vmem>>, vector<16xf32>,
    %get3A_71 = vector.shape_cast %get3A_70 : vector<16xf32> to vector<16xf32>
    %add3A_72 = arith.addf %get3A_68, %get3A_71 : vector<16xf32>
    %swap3A_73 = arith.constant 64 : index
    %swap3A_74 = tpu.vector_load %arg7[%swap3A_73] {strides = array<i32>} : memref<128xf32, #tpu.memory_space<vmem>>, vector<16xf32>,
    %swap3A_75 = vector.shape_cast %swap3A_74 : vector<16xf32> to vector<16xf32>
    %swap3A_76 = vector.shape_cast %add3A_72 : vector<16xf32> to vector<16xf32>
    tpu.vector_store %arg7[%swap3A_73], %swap3A_76 {strides = array<i32>} : memref<128xf32, #tpu.memory_space<vmem>>, vector<16xf32>,
    %get3A_77 = arith.constant 80 : index
    %get3A_78 = tpu.vector_load %arg5[%get3A_77] {strides = array<i32>} : memref<128xf32, #tpu.memory_space<vmem>>, vector<16xf32>,
    %get3A_79 = vector.shape_cast %get3A_78 : vector<16xf32> to vector<16xf32>
    %get3A_80 = arith.constant 80 : index
    %get3A_81 = tpu.vector_load %arg6[%get3A_80] {strides = array<i32>} : memref<128xf32, #tpu.memory_space<vmem>>, vector<16xf32>,
    %get3A_82 = vector.shape_cast %get3A_81 : vector<16xf32> to vector<16xf32>
    %add3A_83 = arith.addf %get3A_79, %get3A_82 : vector<16xf32>
    %swap3A_84 = arith.constant 80 : index
    %swap3A_85 = tpu.vector_load %arg7[%swap3A_84] {strides = array<i32>} : memref<128xf32, #tpu.memory_space<vmem>>, vector<16xf32>,
    %swap3A_86 = vector.shape_cast %swap3A_85 : vector<16xf32> to vector<16xf32>
    %swap3A_87 = vector.shape_cast %add3A_83 : vector<16xf32> to vector<16xf32>
    tpu.vector_store %arg7[%swap3A_84], %swap3A_87 {strides = array<i32>} : memref<128xf32, #tpu.memory_space<vmem>>, vector<16xf32>,
    %get3A_88 = arith.constant 96 : index
    %get3A_89 = tpu.vector_load %arg5[%get3A_88] {strides = array<i32>} : memref<128xf32, #tpu.memory_space<vmem>>, vector<16xf32>,
    %get3A_90 = vector.shape_cast %get3A_89 : vector<16xf32> to vector<16xf32>
    %get3A_91 = arith.constant 96 : index
    %get3A_92 = tpu.vector_load %arg6[%get3A_91] {strides = array<i32>} : memref<128xf32, #tpu.memory_space<vmem>>, vector<16xf32>,
    %get3A_93 = vector.shape_cast %get3A_92 : vector<16xf32> to vector<16xf32>
    %add3A_94 = arith.addf %get3A_90, %get3A_93 : vector<16xf32>
    %swap3A_95 = arith.constant 96 : index
    %swap3A_96 = tpu.vector_load %arg7[%swap3A_95] {strides = array<i32>} : memref<128xf32, #tpu.memory_space<vmem>>, vector<16xf32>,
    %swap3A_97 = vector.shape_cast %swap3A_96 : vector<16xf32> to vector<16xf32>
    %swap3A_98 = vector.shape_cast %add3A_94 : vector<16xf32> to vector<16xf32>
    tpu.vector_store %arg7[%swap3A_95], %swap3A_98 {strides = array<i32>} : memref<128xf32, #tpu.memory_space<vmem>>, vector<16xf32>,
    %get3A_99 = arith.constant 112 : index
    %get3A_100 = tpu.vector_load %arg5[%get3A_99] {strides = array<i32>} : memref<128xf32, #tpu.memory_space<vmem>>, vector<16xf32>,
    %get3A_101 = vector.shape_cast %get3A_100 : vector<16xf32> to vector<16xf32>
    %get3A_102 = arith.constant 112 : index
    %get3A_103 = tpu.vector_load %arg6[%get3A_102] {strides = array<i32>} : memref<128xf32, #tpu.memory_space<vmem>>, vector<16xf32>,
    %get3A_104 = vector.shape_cast %get3A_103 : vector<16xf32> to vector<16xf32>
    %add3A_105 = arith.addf %get3A_101, %get3A_104 : vector<16xf32>
    %swap3A_106 = arith.constant 112 : index
    %swap3A_107 = tpu.vector_load %arg7[%swap3A_106] {strides = array<i32>} : memref<128xf32, #tpu.memory_space<vmem>>, vector<16xf32>,
    %swap3A_108 = vector.shape_cast %swap3A_107 : vector<16xf32> to vector<16xf32>
    %swap3A_109 = vector.shape_cast %add3A_105 : vector<16xf32> to vector<16xf32>
    tpu.vector_store %arg7[%swap3A_106], %swap3A_109 {strides = array<i32>} : memref<128xf32, #tpu.memory_space<vmem>>, vector<16xf32>,
    "tpu.region"() ({
      %run_scoped3A = tpu.sem_alloc : memref<!tpu.dma_semaphore, #tpu.memory_space<semaphore_mem>>
      %dma_start3A = arith.constant 0 : i32
      %dma_start3A_229 = tpu.memref_slice %arg4[%add3A_4, %dma_start3A] : memref<64x128xf32, #tpu.memory_space<hbm>> -> memref<1x128xf32, #tpu.memory_space<hbm>>
      %dma_start3A_230 = tpu.memref_squeeze %dma_start3A_229 : memref<1x128xf32, #tpu.memory_space<hbm>> -> memref<128xf32, #tpu.memory_space<hbm>>
      %dma_start3A_231 = arith.constant 0 : i32
      %dma_start3A_232 = tpu.memref_slice %arg4[%add3A_4, %dma_start3A_231] : memref<64x128xf32, #tpu.memory_space<hbm>> -> memref<1x128xf32, #tpu.memory_space<hbm>>
      %dma_start3A_233 = tpu.memref_squeeze %dma_start3A_232 : memref<1x128xf32, #tpu.memory_space<hbm>> -> memref<128xf32, #tpu.memory_space<hbm>>
      tpu.enqueue_dma source(%arg7 : memref<128xf32, #tpu.memory_space<vmem>>) target(%dma_start3A_233 : memref<128xf32, #tpu.memory_space<hbm>>) target_semaphore(%run_scoped3A : memref<!tpu.dma_semaphore, #tpu.memory_space<semaphore_mem>>)
      %dma_wait3A = arith.constant 0 : i32
      %dma_wait3A_234 = tpu.memref_slice %arg4[%add3A_4, %dma_wait3A] : memref<64x128xf32, #tpu.memory_space<hbm>> -> memref<1x128xf32, #tpu.memory_space<hbm>>
      %dma_wait3A_235 = tpu.memref_squeeze %dma_wait3A_234 : memref<1x128xf32, #tpu.memory_space<hbm>> -> memref<128xf32, #tpu.memory_space<hbm>>
      %dma_wait3A_236 = arith.constant 0 : i32
      %dma_wait3A_237 = tpu.memref_slice %arg4[%add3A_4, %dma_wait3A_236] : memref<64x128xf32, #tpu.memory_space<hbm>> -> memref<1x128xf32, #tpu.memory_space<hbm>>
      %dma_wait3A_238 = tpu.memref_squeeze %dma_wait3A_237 : memref<1x128xf32, #tpu.memory_space<hbm>> -> memref<128xf32, #tpu.memory_space<hbm>>
      tpu.wait_dma2 semaphore(%run_scoped3A : memref<!tpu.dma_semaphore, #tpu.memory_space<semaphore_mem>>) src(%arg7 : memref<128xf32, #tpu.memory_space<vmem>>) dst(%dma_wait3A_238 : memref<128xf32, #tpu.memory_space<hbm>>)
      tpu.yield
    }) : () -> ()
    %mul3A_110 = arith.constant 2 : i32
    %mul3A_111 = arith.muli %add3A, %mul3A_110 : i32
    %add3A_112 = arith.constant 1 : i32
    %add3A_113 = arith.addi %mul3A_111, %add3A_112 : i32
    %jit3A_114 = arith.constant 8 : i32
    %div3A_115 = arith.divsi %add3A_113, %jit3A_114 : i32
    %sign3A_116 = arith.constant 0 : i32
    %sign3A_117 = arith.cmpi sgt, %add3A_113, %sign3A_116 : i32
    %sign3A_118 = arith.extui %sign3A_117 : i1 to i32
    %sign3A_119 = arith.constant 0 : i32
    %sign3A_120 = arith.cmpi slt, %add3A_113, %sign3A_119 : i32
    %sign3A_121 = arith.extui %sign3A_120 : i1 to i32
    %sign3A_122 = arith.subi %sign3A_118, %sign3A_121 : i32
    %sign3A_123 = arith.constant 0 : i32
    %sign3A_124 = arith.cmpi sgt, %jit3A_114, %sign3A_123 : i32
    %sign3A_125 = arith.extui %sign3A_124 : i1 to i32
    %sign3A_126 = arith.constant 0 : i32
    %sign3A_127 = arith.cmpi slt, %jit3A_114, %sign3A_126 : i32
    %sign3A_128 = arith.extui %sign3A_127 : i1 to i32
    %sign3A_129 = arith.subi %sign3A_125, %sign3A_128 : i32
    %ne3A_130 = arith.cmpi ne, %sign3A_122, %sign3A_129 : i32
    %rem3A_131 = arith.remsi %add3A_113, %jit3A_114 : i32
    %ne3A_132 = arith.constant 0 : i32
    %ne3A_133 = arith.cmpi ne, %rem3A_131, %ne3A_132 : i32
    %and3A_134 = arith.andi %ne3A_130, %ne3A_133 : i1
    %sub3A_135 = arith.constant 1 : i32
    %sub3A_136 = arith.subi %div3A_115, %sub3A_135 : i32
    %select_n3A_137 = arith.select %and3A_134, %sub3A_136, %div3A_115 : i32
    %mul3A_138 = arith.constant 8 : i32
    %mul3A_139 = arith.muli %mul3A_138, %select_n3A_137 : i32
    %sub3A_140 = arith.subi %add3A_113, %mul3A_139 : i32
    "tpu.region"() ({
      %run_scoped3A = tpu.sem_alloc : memref<!tpu.dma_semaphore, #tpu.memory_space<semaphore_mem>>
      %dma_start3A = arith.constant 0 : i32
      %dma_start3A_229 = tpu.memref_slice %arg2[%select_n3A_137, %dma_start3A] : memref<8x128xf32, #tpu.memory_space<hbm>> -> memref<1x128xf32, #tpu.memory_space<hbm>>
      %dma_start3A_230 = tpu.memref_squeeze %dma_start3A_229 : memref<1x128xf32, #tpu.memory_space<hbm>> -> memref<128xf32, #tpu.memory_space<hbm>>
      %dma_start3A_231 = arith.constant 0 : i32
      %dma_start3A_232 = tpu.memref_slice %arg2[%select_n3A_137, %dma_start3A_231] : memref<8x128xf32, #tpu.memory_space<hbm>> -> memref<1x128xf32, #tpu.memory_space<hbm>>
      %dma_start3A_233 = tpu.memref_squeeze %dma_start3A_232 : memref<1x128xf32, #tpu.memory_space<hbm>> -> memref<128xf32, #tpu.memory_space<hbm>>
      tpu.enqueue_dma source(%dma_start3A_233 : memref<128xf32, #tpu.memory_space<hbm>>) target(%arg5 : memref<128xf32, #tpu.memory_space<vmem>>) target_semaphore(%run_scoped3A : memref<!tpu.dma_semaphore, #tpu.memory_space<semaphore_mem>>)
      %dma_wait3A = arith.constant 0 : i32
      %dma_wait3A_234 = tpu.memref_slice %arg2[%select_n3A_137, %dma_wait3A] : memref<8x128xf32, #tpu.memory_space<hbm>> -> memref<1x128xf32, #tpu.memory_space<hbm>>
      %dma_wait3A_235 = tpu.memref_squeeze %dma_wait3A_234 : memref<1x128xf32, #tpu.memory_space<hbm>> -> memref<128xf32, #tpu.memory_space<hbm>>
      %dma_wait3A_236 = arith.constant 0 : i32
      %dma_wait3A_237 = tpu.memref_slice %arg2[%select_n3A_137, %dma_wait3A_236] : memref<8x128xf32, #tpu.memory_space<hbm>> -> memref<1x128xf32, #tpu.memory_space<hbm>>
      %dma_wait3A_238 = tpu.memref_squeeze %dma_wait3A_237 : memref<1x128xf32, #tpu.memory_space<hbm>> -> memref<128xf32, #tpu.memory_space<hbm>>
      tpu.wait_dma2 semaphore(%run_scoped3A : memref<!tpu.dma_semaphore, #tpu.memory_space<semaphore_mem>>) src(%dma_wait3A_238 : memref<128xf32, #tpu.memory_space<hbm>>) dst(%arg5 : memref<128xf32, #tpu.memory_space<vmem>>)
      tpu.yield
    }) : () -> ()
    "tpu.region"() ({
      %run_scoped3A = tpu.sem_alloc : memref<!tpu.dma_semaphore, #tpu.memory_space<semaphore_mem>>
      %dma_start3A = arith.constant 0 : i32
      %dma_start3A_229 = tpu.memref_slice %arg3[%sub3A_140, %dma_start3A] : memref<8x128xf32, #tpu.memory_space<hbm>> -> memref<1x128xf32, #tpu.memory_space<hbm>>
      %dma_start3A_230 = tpu.memref_squeeze %dma_start3A_229 : memref<1x128xf32, #tpu.memory_space<hbm>> -> memref<128xf32, #tpu.memory_space<hbm>>
      %dma_start3A_231 = arith.constant 0 : i32
      %dma_start3A_232 = tpu.memref_slice %arg3[%sub3A_140, %dma_start3A_231] : memref<8x128xf32, #tpu.memory_space<hbm>> -> memref<1x128xf32, #tpu.memory_space<hbm>>
      %dma_start3A_233 = tpu.memref_squeeze %dma_start3A_232 : memref<1x128xf32, #tpu.memory_space<hbm>> -> memref<128xf32, #tpu.memory_space<hbm>>
      tpu.enqueue_dma source(%dma_start3A_233 : memref<128xf32, #tpu.memory_space<hbm>>) target(%arg6 : memref<128xf32, #tpu.memory_space<vmem>>) target_semaphore(%run_scoped3A : memref<!tpu.dma_semaphore, #tpu.memory_space<semaphore_mem>>)
      %dma_wait3A = arith.constant 0 : i32
      %dma_wait3A_234 = tpu.memref_slice %arg3[%sub3A_140, %dma_wait3A] : memref<8x128xf32, #tpu.memory_space<hbm>> -> memref<1x128xf32, #tpu.memory_space<hbm>>
      %dma_wait3A_235 = tpu.memref_squeeze %dma_wait3A_234 : memref<1x128xf32, #tpu.memory_space<hbm>> -> memref<128xf32, #tpu.memory_space<hbm>>
      %dma_wait3A_236 = arith.constant 0 : i32
      %dma_wait3A_237 = tpu.memref_slice %arg3[%sub3A_140, %dma_wait3A_236] : memref<8x128xf32, #tpu.memory_space<hbm>> -> memref<1x128xf32, #tpu.memory_space<hbm>>
      %dma_wait3A_238 = tpu.memref_squeeze %dma_wait3A_237 : memref<1x128xf32, #tpu.memory_space<hbm>> -> memref<128xf32, #tpu.memory_space<hbm>>
      tpu.wait_dma2 semaphore(%run_scoped3A : memref<!tpu.dma_semaphore, #tpu.memory_space<semaphore_mem>>) src(%dma_wait3A_238 : memref<128xf32, #tpu.memory_space<hbm>>) dst(%arg6 : memref<128xf32, #tpu.memory_space<vmem>>)
      tpu.yield
    }) : () -> ()
    %get3A_141 = arith.constant 0 : index
    %get3A_142 = tpu.vector_load %arg5[%get3A_141] {strides = array<i32>} : memref<128xf32, #tpu.memory_space<vmem>>, vector<16xf32>,
    %get3A_143 = vector.shape_cast %get3A_142 : vector<16xf32> to vector<16xf32>
    %get3A_144 = arith.constant 0 : index
    %get3A_145 = tpu.vector_load %arg6[%get3A_144] {strides = array<i32>} : memref<128xf32, #tpu.memory_space<vmem>>, vector<16xf32>,
    %get3A_146 = vector.shape_cast %get3A_145 : vector<16xf32> to vector<16xf32>
    %add3A_147 = arith.addf %get3A_143, %get3A_146 : vector<16xf32>
    %swap3A_148 = arith.constant 0 : index
    %swap3A_149 = tpu.vector_load %arg7[%swap3A_148] {strides = array<i32>} : memref<128xf32, #tpu.memory_space<vmem>>, vector<16xf32>,
    %swap3A_150 = vector.shape_cast %swap3A_149 : vector<16xf32> to vector<16xf32>
    %swap3A_151 = vector.shape_cast %add3A_147 : vector<16xf32> to vector<16xf32>
    tpu.vector_store %arg7[%swap3A_148], %swap3A_151 {strides = array<i32>} : memref<128xf32, #tpu.memory_space<vmem>>, vector<16xf32>,
    %get3A_152 = arith.constant 16 : index
    %get3A_153 = tpu.vector_load %arg5[%get3A_152] {strides = array<i32>} : memref<128xf32, #tpu.memory_space<vmem>>, vector<16xf32>,
    %get3A_154 = vector.shape_cast %get3A_153 : vector<16xf32> to vector<16xf32>
    %get3A_155 = arith.constant 16 : index
    %get3A_156 = tpu.vector_load %arg6[%get3A_155] {strides = array<i32>} : memref<128xf32, #tpu.memory_space<vmem>>, vector<16xf32>,
    %get3A_157 = vector.shape_cast %get3A_156 : vector<16xf32> to vector<16xf32>
    %add3A_158 = arith.addf %get3A_154, %get3A_157 : vector<16xf32>
    %swap3A_159 = arith.constant 16 : index
    %swap3A_160 = tpu.vector_load %arg7[%swap3A_159] {strides = array<i32>} : memref<128xf32, #tpu.memory_space<vmem>>, vector<16xf32>,
    %swap3A_161 = vector.shape_cast %swap3A_160 : vector<16xf32> to vector<16xf32>
    %swap3A_162 = vector.shape_cast %add3A_158 : vector<16xf32> to vector<16xf32>
    tpu.vector_store %arg7[%swap3A_159], %swap3A_162 {strides = array<i32>} : memref<128xf32, #tpu.memory_space<vmem>>, vector<16xf32>,
    %get3A_163 = arith.constant 32 : index
    %get3A_164 = tpu.vector_load %arg5[%get3A_163] {strides = array<i32>} : memref<128xf32, #tpu.memory_space<vmem>>, vector<16xf32>,
    %get3A_165 = vector.shape_cast %get3A_164 : vector<16xf32> to vector<16xf32>
    %get3A_166 = arith.constant 32 : index
    %get3A_167 = tpu.vector_load %arg6[%get3A_166] {strides = array<i32>} : memref<128xf32, #tpu.memory_space<vmem>>, vector<16xf32>,
    %get3A_168 = vector.shape_cast %get3A_167 : vector<16xf32> to vector<16xf32>
    %add3A_169 = arith.addf %get3A_165, %get3A_168 : vector<16xf32>
    %swap3A_170 = arith.constant 32 : index
    %swap3A_171 = tpu.vector_load %arg7[%swap3A_170] {strides = array<i32>} : memref<128xf32, #tpu.memory_space<vmem>>, vector<16xf32>,
    %swap3A_172 = vector.shape_cast %swap3A_171 : vector<16xf32> to vector<16xf32>
    %swap3A_173 = vector.shape_cast %add3A_169 : vector<16xf32> to vector<16xf32>
    tpu.vector_store %arg7[%swap3A_170], %swap3A_173 {strides = array<i32>} : memref<128xf32, #tpu.memory_space<vmem>>, vector<16xf32>,
    %get3A_174 = arith.constant 48 : index
    %get3A_175 = tpu.vector_load %arg5[%get3A_174] {strides = array<i32>} : memref<128xf32, #tpu.memory_space<vmem>>, vector<16xf32>,
    %get3A_176 = vector.shape_cast %get3A_175 : vector<16xf32> to vector<16xf32>
    %get3A_177 = arith.constant 48 : index
    %get3A_178 = tpu.vector_load %arg6[%get3A_177] {strides = array<i32>} : memref<128xf32, #tpu.memory_space<vmem>>, vector<16xf32>,
    %get3A_179 = vector.shape_cast %get3A_178 : vector<16xf32> to vector<16xf32>
    %add3A_180 = arith.addf %get3A_176, %get3A_179 : vector<16xf32>
    %swap3A_181 = arith.constant 48 : index
    %swap3A_182 = tpu.vector_load %arg7[%swap3A_181] {strides = array<i32>} : memref<128xf32, #tpu.memory_space<vmem>>, vector<16xf32>,
    %swap3A_183 = vector.shape_cast %swap3A_182 : vector<16xf32> to vector<16xf32>
    %swap3A_184 = vector.shape_cast %add3A_180 : vector<16xf32> to vector<16xf32>
    tpu.vector_store %arg7[%swap3A_181], %swap3A_184 {strides = array<i32>} : memref<128xf32, #tpu.memory_space<vmem>>, vector<16xf32>,
    %get3A_185 = arith.constant 64 : index
    %get3A_186 = tpu.vector_load %arg5[%get3A_185] {strides = array<i32>} : memref<128xf32, #tpu.memory_space<vmem>>, vector<16xf32>,
    %get3A_187 = vector.shape_cast %get3A_186 : vector<16xf32> to vector<16xf32>
    %get3A_188 = arith.constant 64 : index
    %get3A_189 = tpu.vector_load %arg6[%get3A_188] {strides = array<i32>} : memref<128xf32, #tpu.memory_space<vmem>>, vector<16xf32>,
    %get3A_190 = vector.shape_cast %get3A_189 : vector<16xf32> to vector<16xf32>
    %add3A_191 = arith.addf %get3A_187, %get3A_190 : vector<16xf32>
    %swap3A_192 = arith.constant 64 : index
    %swap3A_193 = tpu.vector_load %arg7[%swap3A_192] {strides = array<i32>} : memref<128xf32, #tpu.memory_space<vmem>>, vector<16xf32>,
    %swap3A_194 = vector.shape_cast %swap3A_193 : vector<16xf32> to vector<16xf32>
    %swap3A_195 = vector.shape_cast %add3A_191 : vector<16xf32> to vector<16xf32>
    tpu.vector_store %arg7[%swap3A_192], %swap3A_195 {strides = array<i32>} : memref<128xf32, #tpu.memory_space<vmem>>, vector<16xf32>,
    %get3A_196 = arith.constant 80 : index
    %get3A_197 = tpu.vector_load %arg5[%get3A_196] {strides = array<i32>} : memref<128xf32, #tpu.memory_space<vmem>>, vector<16xf32>,
    %get3A_198 = vector.shape_cast %get3A_197 : vector<16xf32> to vector<16xf32>
    %get3A_199 = arith.constant 80 : index
    %get3A_200 = tpu.vector_load %arg6[%get3A_199] {strides = array<i32>} : memref<128xf32, #tpu.memory_space<vmem>>, vector<16xf32>,
    %get3A_201 = vector.shape_cast %get3A_200 : vector<16xf32> to vector<16xf32>
    %add3A_202 = arith.addf %get3A_198, %get3A_201 : vector<16xf32>
    %swap3A_203 = arith.constant 80 : index
    %swap3A_204 = tpu.vector_load %arg7[%swap3A_203] {strides = array<i32>} : memref<128xf32, #tpu.memory_space<vmem>>, vector<16xf32>,
    %swap3A_205 = vector.shape_cast %swap3A_204 : vector<16xf32> to vector<16xf32>
    %swap3A_206 = vector.shape_cast %add3A_202 : vector<16xf32> to vector<16xf32>
    tpu.vector_store %arg7[%swap3A_203], %swap3A_206 {strides = array<i32>} : memref<128xf32, #tpu.memory_space<vmem>>, vector<16xf32>,
    %get3A_207 = arith.constant 96 : index
    %get3A_208 = tpu.vector_load %arg5[%get3A_207] {strides = array<i32>} : memref<128xf32, #tpu.memory_space<vmem>>, vector<16xf32>,
    %get3A_209 = vector.shape_cast %get3A_208 : vector<16xf32> to vector<16xf32>
    %get3A_210 = arith.constant 96 : index
    %get3A_211 = tpu.vector_load %arg6[%get3A_210] {strides = array<i32>} : memref<128xf32, #tpu.memory_space<vmem>>, vector<16xf32>,
    %get3A_212 = vector.shape_cast %get3A_211 : vector<16xf32> to vector<16xf32>
    %add3A_213 = arith.addf %get3A_209, %get3A_212 : vector<16xf32>
    %swap3A_214 = arith.constant 96 : index
    %swap3A_215 = tpu.vector_load %arg7[%swap3A_214] {strides = array<i32>} : memref<128xf32, #tpu.memory_space<vmem>>, vector<16xf32>,
    %swap3A_216 = vector.shape_cast %swap3A_215 : vector<16xf32> to vector<16xf32>
    %swap3A_217 = vector.shape_cast %add3A_213 : vector<16xf32> to vector<16xf32>
    tpu.vector_store %arg7[%swap3A_214], %swap3A_217 {strides = array<i32>} : memref<128xf32, #tpu.memory_space<vmem>>, vector<16xf32>,
    %get3A_218 = arith.constant 112 : index
    %get3A_219 = tpu.vector_load %arg5[%get3A_218] {strides = array<i32>} : memref<128xf32, #tpu.memory_space<vmem>>, vector<16xf32>,
    %get3A_220 = vector.shape_cast %get3A_219 : vector<16xf32> to vector<16xf32>
    %get3A_221 = arith.constant 112 : index
    %get3A_222 = tpu.vector_load %arg6[%get3A_221] {strides = array<i32>} : memref<128xf32, #tpu.memory_space<vmem>>, vector<16xf32>,
    %get3A_223 = vector.shape_cast %get3A_222 : vector<16xf32> to vector<16xf32>
    %add3A_224 = arith.addf %get3A_220, %get3A_223 : vector<16xf32>
    %swap3A_225 = arith.constant 112 : index
    %swap3A_226 = tpu.vector_load %arg7[%swap3A_225] {strides = array<i32>} : memref<128xf32, #tpu.memory_space<vmem>>, vector<16xf32>,
    %swap3A_227 = vector.shape_cast %swap3A_226 : vector<16xf32> to vector<16xf32>
    %swap3A_228 = vector.shape_cast %add3A_224 : vector<16xf32> to vector<16xf32>
    tpu.vector_store %arg7[%swap3A_225], %swap3A_228 {strides = array<i32>} : memref<128xf32, #tpu.memory_space<vmem>>, vector<16xf32>,
    "tpu.region"() ({
      %run_scoped3A = tpu.sem_alloc : memref<!tpu.dma_semaphore, #tpu.memory_space<semaphore_mem>>
      %dma_start3A = arith.constant 0 : i32
      %dma_start3A_229 = tpu.memref_slice %arg4[%add3A_113, %dma_start3A] : memref<64x128xf32, #tpu.memory_space<hbm>> -> memref<1x128xf32, #tpu.memory_space<hbm>>
      %dma_start3A_230 = tpu.memref_squeeze %dma_start3A_229 : memref<1x128xf32, #tpu.memory_space<hbm>> -> memref<128xf32, #tpu.memory_space<hbm>>
      %dma_start3A_231 = arith.constant 0 : i32
      %dma_start3A_232 = tpu.memref_slice %arg4[%add3A_113, %dma_start3A_231] : memref<64x128xf32, #tpu.memory_space<hbm>> -> memref<1x128xf32, #tpu.memory_space<hbm>>
      %dma_start3A_233 = tpu.memref_squeeze %dma_start3A_232 : memref<1x128xf32, #tpu.memory_space<hbm>> -> memref<128xf32, #tpu.memory_space<hbm>>
      tpu.enqueue_dma source(%arg7 : memref<128xf32, #tpu.memory_space<vmem>>) target(%dma_start3A_233 : memref<128xf32, #tpu.memory_space<hbm>>) target_semaphore(%run_scoped3A : memref<!tpu.dma_semaphore, #tpu.memory_space<semaphore_mem>>)
      %dma_wait3A = arith.constant 0 : i32
      %dma_wait3A_234 = tpu.memref_slice %arg4[%add3A_113, %dma_wait3A] : memref<64x128xf32, #tpu.memory_space<hbm>> -> memref<1x128xf32, #tpu.memory_space<hbm>>
      %dma_wait3A_235 = tpu.memref_squeeze %dma_wait3A_234 : memref<1x128xf32, #tpu.memory_space<hbm>> -> memref<128xf32, #tpu.memory_space<hbm>>
      %dma_wait3A_236 = arith.constant 0 : i32
      %dma_wait3A_237 = tpu.memref_slice %arg4[%add3A_113, %dma_wait3A_236] : memref<64x128xf32, #tpu.memory_space<hbm>> -> memref<1x128xf32, #tpu.memory_space<hbm>>
      %dma_wait3A_238 = tpu.memref_squeeze %dma_wait3A_237 : memref<1x128xf32, #tpu.memory_space<hbm>> -> memref<128xf32, #tpu.memory_space<hbm>>
      tpu.wait_dma2 semaphore(%run_scoped3A : memref<!tpu.dma_semaphore, #tpu.memory_space<semaphore_mem>>) src(%arg7 : memref<128xf32, #tpu.memory_space<vmem>>) dst(%dma_wait3A_238 : memref<128xf32, #tpu.memory_space<hbm>>)
      tpu.yield
    }) : () -> ()
    return
  }
}

module attributes {stable_mosaic.version = 14 : i64} {
  func.func @_add_bias_kernel(%arg0: i32, %arg1: memref<256x8x8x128xf32, #tpu.memory_space<vmem>>, %arg2: memref<8x8x128xf32, #tpu.memory_space<vmem>>, %arg3: memref<256x8x8x128xf32, #tpu.memory_space<vmem>>) attributes {dimension_semantics = [#tpu.dimension_semantics<parallel>], iteration_bounds = array<i64: 16>, scalar_prefetch = 0 : i64, scratch_operands = 0 : i64, tpu.core_type = #tpu.core_type<tc>, window_params = [{transform_indices = @transform_0, window_bounds = array<i64: 256, 8, 8, 128>}, {pipeline_mode = #tpu.pipeline_mode<synchronous>, transform_indices = @transform_1, window_bounds = array<i64: 8, 8, 128>}, {transform_indices = @transform_2, window_bounds = array<i64: 256, 8, 8, 128>}]} {
    %get3A = arith.constant 0 : index
    %get3A_0 = arith.constant 0 : index
    %get3A_1 = arith.constant 0 : index
    %get3A_2 = arith.constant 0 : index
    %get3A_3 = vector.load %arg1[%get3A, %get3A_0, %get3A_1, %get3A_2] : memref<256x8x8x128xf32, #tpu.memory_space<vmem>>, vector<256x8x8x128xf32>
    %get3A_4 = arith.constant 0 : index
    %get3A_5 = arith.constant 0 : index
    %get3A_6 = arith.constant 0 : index
    %get3A_7 = vector.load %arg2[%get3A_4, %get3A_5, %get3A_6] : memref<8x8x128xf32, #tpu.memory_space<vmem>>, vector<8x8x128xf32>
    %broadcast_in_dim3A = vector.shape_cast %get3A_7 : vector<8x8x128xf32> to vector<1x8x8x128xf32>
    %add3A = vector.broadcast %broadcast_in_dim3A : vector<1x8x8x128xf32> to vector<256x8x8x128xf32>
    %add3A_8 = arith.addf %get3A_3, %add3A : vector<256x8x8x128xf32>
    %swap3A = arith.constant 0 : index
    %swap3A_9 = arith.constant 0 : index
    %swap3A_10 = arith.constant 0 : index
    %swap3A_11 = arith.constant 0 : index
    %swap3A_12 = vector.load %arg3[%swap3A, %swap3A_9, %swap3A_10, %swap3A_11] : memref<256x8x8x128xf32, #tpu.memory_space<vmem>>, vector<256x8x8x128xf32>
    tpu.vector_store %arg3[%swap3A, %swap3A_9, %swap3A_10, %swap3A_11], %add3A_8 {strides = array<i32>} : memref<256x8x8x128xf32, #tpu.memory_space<vmem>>, vector<256x8x8x128xf32>,
    return
  }
  func.func @transform_0(%arg0: i32) -> (i32, i32, i32, i32) {
    %c0_i32 = arith.constant 0 : i32
    %c0_i32_0 = arith.constant 0 : i32
    %c0_i32_1 = arith.constant 0 : i32
    %c0_i32_2 = arith.constant 0 : i32
    return %arg0, %c0_i32, %c0_i32_0, %c0_i32_1 : i32, i32, i32, i32
  }
  func.func @transform_1(%arg0: i32) -> (i32, i32, i32) {
    %c0_i32 = arith.constant 0 : i32
    %c0_i32_0 = arith.constant 0 : i32
    %c0_i32_1 = arith.constant 0 : i32
    %c0_i32_2 = arith.constant 0 : i32
    return %c0_i32, %c0_i32_0, %c0_i32_1 : i32, i32, i32
  }
  func.func @transform_2(%arg0: i32) -> (i32, i32, i32, i32) {
    %c0_i32 = arith.constant 0 : i32
    %c0_i32_0 = arith.constant 0 : i32
    %c0_i32_1 = arith.constant 0 : i32
    %c0_i32_2 = arith.constant 0 : i32
    return %arg0, %c0_i32, %c0_i32_0, %c0_i32_1 : i32, i32, i32, i32
  }
}

</mosaic_0001>

<sc_bundles>
// kernel: kernel.4.cloned.1.call-start
scs
__scs_entry_jumppad:
0x0: {  	(pc) =	sbr.rel $0x88, $3  }
0x1: {  	(tag) =	ssettag $0x0;
	lr =	simm.s32 $0x1  }
0x2: {  	[smem:$0x3F9E] =	sst lr;
	_ =	strace $0xD0000000  }
0x3: {  	_ = 	snop  }
0x4: {  	_ = 	snop  }
0x5: {  	_ = 	snop  }
0x6: {  	_ = 	snop  }
0x7: {  	_ = 	snop  }
__scs_overlays_trampoline_lowered:
0x8: {  	[smem:$0x3FAD] =	sst s0  }
0x9: {  	[smem:$0x3FAE] =	sst s1  }
0xa: {  	[smem:$0x3FAF] =	sst s2  }
0xb: {  	[smem:$0x3FB0] =	sst s3  }
0xc: {  	[smem:$0x3FB1] =	sst s4  }
0xd: {  	[smem:$0x3FB2] =	sst s5  }
0xe: {  	[smem:$0x3FB3] =	sst s6  }
0xf: {  	[smem:$0x3FB4] =	sst s7  }
0x10: {  	[smem:$0x3FB5] =	sst s8  }
0x11: {  	[smem:$0x3FB6] =	sst s9;
	s0 =	simm.s32 @!p0 $0x0  }
0x12: {  	s1 =	sld [smem:$0x3F9C];
	s0 =	simm.s32 @p0 $0x1  }
0x13: {  	[smem:$0x3FB7] =	sst s0;
	s0 =	simm.s32 @!p1 $0x0  }
0x14: {  	s2 =	sld [smem:$0x3F9B];
	s0 =	simm.s32 @p1 $0x1  }
0x15: {  	[smem:$0x3FB8] =	sst s0;
	s0 =	simm.s32 @!p2 $0x0  }
0x16: {  	s3 =	sld [smem:$0x3FDB];
	s0 =	simm.s32 @p2 $0x1  }
0x17: {  	s4 =	simm.s32 $0x1BF5;
	[smem:$0x3FBA] =	sst s0  }
0x18: {  	s0 =	sld [smem:$0x3F9D];
	_ =	swait.ge [sflag:s4], $0x0  }
0x19: {  	s7 =	sld [smem:$0x3F9E]  }
0x1a: {  	s8 =	sadd.s32 $0xFFFFE003, lr  }
0x1b: {  	s9 =	sadd.s32 $0xFFFFFEF7, lr;
	s5 =	simm.s32 $0xFFFFFFFF;
	p2 =	slt.u32 s8, $0xFFFFF086  }
0x1c: {  	p1 =	slt.u32 s9, $0xF7A;
	s5 =	simm.s32 @!p2 $0x0  }
0x1d: {  	s5 =	simm.s32 @p1 $0x1;
	p0 =	seq.s32 s7, s2  }
0x1e: {  	s7 =	smul.u32 @!p0 $0xF7A, s2;
	p2 =	seq.s32 @!p0 s5, $0x0  }
0x1f: {  	s9 =	smul.u32 $0xF7A, s1;
	s8 =	simm.s32 @!p0 $0x1BF5;
	p2 =	por !p2, p0  }
0x20: {  	[sflag:s8] =	ssyncset.s32 @!p0 $0xFFFFF086;
	s6 =	sadd.s32 @!p0 s3, s7;
	s7 =	simm.s32 @!p0 $0x108  }
0x21: {  	s3 =	sadd.s32 s3, s9;
	s6 =	sadd.s32 @!p0 $0x88, s6;
	s7 =	simm.s32 @p2 $0x1082  }
0x22: {  	[simem:s7], [sflag:s8] =	dma.local @!p0 [hbm:s6], $0xF7A  }
0x23: {  	s9 =	sor.u32 $0xD0000000, s2;
	s6 =	simm.s32 $0x108;
	_ =	swait.ge @!p0 [sflag:s8], $0x0  }
0x24: {  	s3 =	sadd.s32 $0x88, s3;
	s6 =	simm.s32 @!p1 $0x1082;
	[sflag:s4] =	ssyncset.s32 $0xFFFFF086  }
0x25: {  	[simem:s6], [sflag:s4] =	dma.local [hbm:s3], $0xF7A  }
0x26: {  	[smem:$0x3F9E] =	sst s1;
	(tag) =	ssettag s2;
	_ =	strace s9  }
0x27: {  	s1 =	sld [smem:$0x3FAE]  }
0x28: {  	s2 =	sld [smem:$0x3FAF]  }
0x29: {  	s4 =	sld [smem:$0x3FB1]  }
0x2a: {  	p0 =	seq.s32 s5, $0x0;
	s5 =	sld [smem:$0x3FB2]  }
0x2b: {  	s6 =	sld [smem:$0x3FB3]  }
0x2c: {  	s7 =	sld [smem:$0x3FB4]  }
0x2d: {  	s3 =	simm.s32 $0x108;
	s8 =	sld [smem:$0x3FB5]  }
0x2e: {  	s3 =	simm.s32 @!p0 $0x1082;
	s9 =	sld [smem:$0x3FB6]  }
0x2f: {  	lr =	sadd.s32 s0, s3;
	s0 =	sld [smem:$0x3FAD]  }
0x30: {  	s3 =	sld [smem:$0x3FB0]  }
0x31: {  	[smem:$0x3FB9] =	sst s10  }
0x32: {  	s10 =	sld [smem:$0x3FB7];
	_ =	sdelay $0x3  }
0x33: {  	p0 =	seq.s32 s10, $0x1;
	s10 =	sld [smem:$0x3FB9];
	_ =	sdelay $0x3  }
0x34: {  	[smem:$0x3FB9] =	sst s10  }
0x35: {  	s10 =	sld [smem:$0x3FB8];
	_ =	sdelay $0x3  }
0x36: {  	p1 =	seq.s32 s10, $0x1;
	s10 =	sld [smem:$0x3FB9];
	_ =	sdelay $0x3  }
0x37: {  	[smem:$0x3FB9] =	sst s10  }
0x38: {  	s10 =	sld [smem:$0x3FBA]  }
0x39: {  	_ = 	snop;
	(pc) =	sbr.ind lr, $3  }
0x3a: {  	_ = 	snop  }
0x3b: {  	_ = 	snop  }
0x3c: {  	p2 =	seq.s32 s10, $0x1;
	s10 =	sld [smem:$0x3FB9]  }
0x3d: {  	_ =	shalt  }
0x3e: {  	_ =	shalt  }
0x3f: {  	_ =	shalt  }
0x40: {  	_ =	shalt  }
0x41: {  	_ =	shalt  }
0x42: {  	_ =	shalt  }
0x43: {  	_ =	shalt  }
0x44: {  	_ =	shalt  }
0x45: {  	_ =	shalt  }
0x46: {  	_ =	shalt  }
0x47: {  	_ =	shalt  }
0x48: {  	_ =	shalt  }
0x49: {  	_ =	shalt  }
0x4a: {  	_ =	shalt  }
0x4b: {  	_ =	shalt  }
0x4c: {  	_ =	shalt  }
0x4d: {  	_ =	shalt  }
0x4e: {  	_ =	shalt  }
0x4f: {  	_ =	shalt  }
0x50: {  	_ =	shalt  }
0x51: {  	_ =	shalt  }
0x52: {  	_ =	shalt  }
0x53: {  	_ =	shalt  }
0x54: {  	_ =	shalt  }
0x55: {  	_ =	shalt  }
0x56: {  	_ =	shalt  }
0x57: {  	_ =	shalt  }
0x58: {  	_ =	shalt  }
0x59: {  	_ =	shalt  }
0x5a: {  	_ =	shalt  }
0x5b: {  	_ =	shalt  }
0x5c: {  	_ =	shalt  }
0x5d: {  	_ =	shalt  }
0x5e: {  	_ =	shalt  }
0x5f: {  	_ =	shalt  }
0x60: {  	_ =	shalt  }
0x61: {  	_ =	shalt  }
0x62: {  	_ =	shalt  }
0x63: {  	_ =	shalt  }
0x64: {  	_ =	shalt  }
0x65: {  	_ =	shalt  }
0x66: {  	_ =	shalt  }
0x67: {  	_ =	shalt  }
0x68: {  	_ =	shalt  }
0x69: {  	_ =	shalt  }
0x6a: {  	_ =	shalt  }
0x6b: {  	_ =	shalt  }
0x6c: {  	_ =	shalt  }
0x6d: {  	_ =	shalt  }
0x6e: {  	_ =	shalt  }
0x6f: {  	_ =	shalt  }
0x70: {  	_ =	shalt  }
0x71: {  	_ =	shalt  }
0x72: {  	_ =	shalt  }
0x73: {  	_ =	shalt  }
0x74: {  	_ =	shalt  }
0x75: {  	_ =	shalt  }
0x76: {  	_ =	shalt  }
0x77: {  	_ =	shalt  }
0x78: {  	_ =	shalt  }
0x79: {  	_ =	shalt  }
0x7a: {  	_ =	shalt  }
0x7b: {  	_ =	shalt  }
0x7c: {  	_ =	shalt  }
0x7d: {  	_ =	shalt  }
0x7e: {  	_ =	shalt  }
0x7f: {  	_ =	shalt  }
0x80: {  	_ =	shalt  }
0x81: {  	_ =	shalt  }
0x82: {  	_ =	shalt  }
0x83: {  	_ =	shalt  }
0x84: {  	_ =	shalt  }
0x85: {  	_ =	shalt  }
0x86: {  	_ =	shalt  }
0x87: {  	_ =	shalt  }
.Lfunc_end0:
.L_simem_size_0:
called_computation_lowered:
.L_overlay_start_0:
0x88: {  	s2 =	sld [smem:$0x3FD9]  }
0x89: {  	s3 =	sld [smem:$0x3FFE];
	_ =	sdelay $0x1  }
0x8a: {  	s1 =	srdreg.scid  }
0x8b: {  	s0 =	sand.u32 $0x1, s1  }
0x8c: {  	s18 =	sshll.u32 s0, $0xA;
	s2 =	sadd.s32 s3, s2  }
0x8d: {  	s2 =	sadd.s32 s2, s18  }
0x8e: {  	[smem:$0x3FC5] =	sst s2  }
0x8f: {  	_ = 	snop  }
0x90: {  	s2 =	sld [smem:$0x3FC8]  }
0x91: {  	s19 =	sld [smem:$0x3FC7]  }
0x92: {  	s4 =	sld [smem:$0x3FD0];
	(tm) =	ssettm $0x1  }
0x93: {  	s5 =	sld [smem:$0x3FFB];
	_ =	sdelay $0x3  }
0x94: {  	_ =	strace s5  }
0x95: {  	s5 =	sld [smem:$0x3FFC];
	_ =	sdelay $0x3  }
0x96: {  	_ =	strace s5  }
0x97: {  	s5 =	sld [smem:$0x3FFD];
	_ =	sdelay $0x3  }
0x98: {  	_ =	strace s5  }
0x99: {  	_ =	strace $0x8FFFFFFF  }
0x9a: {  	s20 =	sld [smem:$0x3FDB];
	_ =	sdelay $0x1  }
0x9b: {  	s6 =	simm.s32 $_scs_section_size  }
0x9c: {  	s7 =	simm.s32 $_size__tile_overlayer_lowered;
	s8 =	simm.s32 $_tile_overlayer_lowered  }
0x9d: {  	s23 =	simm.s32 $0x1BFF;
	s22 =	sshll.u32 s8, $0x1;
	s5 =	sadd.s32 s6, s20  }
0x9e: {  	s9 =	simm.s32 $0x0;
	s21 =	sshll.u32 s7, $0x1;
	s7 =	sadd.s32 s22, s5  }
0x9f: {  	[timem:s9], [sflag:s23] =	dma.local [hbm:s7], s21  }
0xa0: {  	_ =	swait.ge [sflag:s23], s21  }
0xa1: {  	s6 =	ssub.s32 $0x0, s21;
	[sflag:s23] =	ssyncset.done $0x0  }
0xa2: {  	[sflag:s23] =	ssyncadd.s32 s6;
	_ =	sdelay $0x1  }
0xa3: {  	s24 =	simm.s32 $0x1B8B  }
0xa4: {  	_ =	swait.ge [sflag:s24], $0x1  }
0xa5: {  	[sflag:s24] =	ssyncset.done $0x0  }
0xa6: {  	s25 =	simm.s32 $0x1B8E;
	[sflag:s24] =	ssyncadd.s32 $0xFFFFFFFF  }
0xa7: {  	s26 =	simm.s32 $execute0_lowered;
	[smem:$0x3FD2] =	sst s25  }
0xa8: {  	s6 =	sshll.u32 s26, $0x1;
	_ =	strace $0x80000046;
	[dreg:$0x1] =	wrdreg $0xFFFFFFFF  }
0xa9: {  	s28 =	simm.s32 $_size_execute0_lowered;
	s5 =	sadd.s32 s5, s6;
	[dreg:$0x0] =	wrdreg $0x0  }
0xaa: {  	s6 =	sshll.u32 s28, $0x1;
	[dreg:$0x2] =	wrdreg s5  }
0xab: {  	[dreg:$0x3] =	wrdreg s6  }
0xac: {  	[dreg:$0x4] =	wrdreg $0xC0  }
0xad: {  	_ =	task [dreg:s9], $0x5FFFF  }
0xae: {  	[dreg:$0x1] =	wrdreg $0xFFFFFFFF  }
0xaf: {  	[dreg:$0x0] =	wrdreg $0x60  }
0xb0: {  	[dreg:$0x2] =	wrdreg s2  }
0xb1: {  	[dreg:$0x3] =	wrdreg s19  }
0xb2: {  	[dreg:$0x4] =	wrdreg s4  }
0xb3: {  	[dreg:$0x5] =	wrdreg $0x9  }
0xb4: {  	_ =	task.clear_ibuf [dreg:s9], $0x6FFFF;
	_ =	strace $0x90000046  }
0xb5: {  	s29 =	simm.s32 $0x9;
	_ =	strace $0x80000048  }
0xb6: {  	_ =	swait.ge [sflag:s29], $0x1  }
0xb7: {  	[sflag:s29] =	ssyncadd.s32 $0xFFFFFFFF  }
0xb8: {  	_ =	strace $0x90000048  }
0xb9: {  	_ =	sfence  }
0xba: {  	s30 =	sld [smem:$0x0];
	_ =	sdelay $0x2  }
0xbb: {  	s31 =	sshll.u32 s1, $0xD;
	s1 =	sshrl.u32 s1, $0x2  }
0xbc: {  	s3 =	sand.u32 $0x4000, s31;
	s1 =	sadd.s32 s1, s30  }
0xbd: {  	s0 =	sor.u32 s3, s0;
	s1 =	sshll.u32 s1, $0x11  }
0xbe: {  	s0 =	sor.u32 s1, s0  }
0xbf: {  	s0 =	sadd.s32 $0x8F2B, s0  }
0xc0: {  	[sflag:s0] =	ssyncadd.remote.s32 $0x1  }
0xc1: {  	_ =	sfence.sel $0xFFFF  }
0xc2: {  	[dreg:$0x0] =	wrdreg $0xFFFFFFFF;
	(pc) =	sbr.abs _section_cstart, $3  }
0xc3: {  	[dreg:$0x1] =	wrdreg $0xFFFFFFFF  }
0xc4: {  	_ =	task.clear_ibuf [dreg:s9], $0x2FFFF;
	_ =	strace $0x9FFFFFFF  }
0xc5: {  	(tm) =	ssettm $0x7FFFFFFF  }
tec
execute0_lowered:
.L_overlay_start_1:
0x0: {  	(tag) =	ssettag $0x1  }
0x1: {  	s3 =	rddreg [dreg:$0x0]  }
0x2: {  	s4 =	rddreg [dreg:$0x1]  }
0x3: {  	s5 =	rddreg [dreg:$0x2];
	s2 =	srdreg.scid  }
0x4: {  	s0 =	rddreg [dreg:$0x3];
	s1 =	stileid.u32  }
0x5: {  	s8 =	sand.u32 $0x1, s2;
	s2 =	simm.s32 $0x0;
	s6 =	sshll.u32 s1, $0x2  }
0x6: {  	s25 =	sshrl.u32 s1, $0x1;
	s7 =	sshll.u32 s8, $0x1;
	[smem:$0x7FF] =	sst s2  }
0x7: {  	s26 =	sshll.u32 s25, $0x4;
	s10 =	sshll.u32 s25, $0xA;
	s9 =	sor.u32 s7, s6  }
0x8: {  	_ =	strace $0x80000047;
	s6 =	sadd.s32 s3, s26;
	s11 =	sshll.u32 s9, $0x7  }
0x9: {  	[tilespmem:s2], [sflag:$0x1] =	stream.linear.gather [hbm4b:s6+s2], $0x80, $0x38;
	[tilespmem:$0x180] =	vst v63  }
0xa: {  	s28 =	ssub.s32 s11, s10  }
0xb: {  	s3 =	simm.s32 $0x1;
	s13 =	sand.u32 $0x300, s11;
	s12 =	sand.u32 $0xFFFFFC00, s28  }
0xc: {  	_ =	swait.ge [sflag:s3], $0x80;
	s29 =	sor.u32 s13, s12  }
0xd: {  	[sflag:s3] =	ssyncset.done $0x0;
	s7 =	sshrl.u32 s29, $0x3  }
0xe: {  	[sflag:s3] =	ssyncadd.s32 $0xFFFFFF80;
	s10 =	sadd.s32 s4, s7;
	s7 =	simm.s32 $0x80  }
0xf: {  	[tilespmem:s7], [sflag:$0x1] =	stream.linear.gather [hbm4b:s10+s2], $0x80, $0x38;
	[tilespmem:$0x180] =	vst v63  }
0x10: {  	s8 =	ssub.s32 $0x2, s8;
	_ =	swait.ge [sflag:s3], $0x80  }
0x11: {  	s14 =	sshrl.u32 s8, $0x1;
	[sflag:s3] =	ssyncset.done $0x0  }
0x12: {  	s14 =	ssub.s32 s8, s14;
	[sflag:s3] =	ssyncadd.s32 $0xFFFFFF80  }
0x13: {  	s31 =	smax.u32 s14, $0x1;
	v2 =	vld [tilespmem:$0x50]  }
0x14: {  	p0 =	sne.s32 s31, $0x1;
	s13 =	sor.u32 $0x80, s13;
	v3 =	vld [tilespmem:$0xF0]  }
.Ltmp0:
0x15: {  	s12 =	sor.u32 s13, s12;
	v4 =	vld [tilespmem:$0xD0];
	(pc) =	sbr.rel @!p0 .LBB2_2-.Ltmp0, $4  }
0x16: {  	s30 =	sand.u32 $0x1C00, s11;
	s12 =	sshrl.u32 s12, $0x3;
	v5 =	vld [tilespmem:$0x70]  }
0x17: {  	s9 =	sshll.u32 s9, $0x4;
	s8 =	sadd.s32 s4, s12;
	s4 =	sor.u32 s30, s13;
	v0 =	vld [tilespmem:$0xC0]  }
0x18: {  	s9 =	sadd.s32 s5, s9;
	s4 =	sshrl.u32 s4, $0x3;
	v1 =	vld [tilespmem:$0xE0]  }
0x19: {  	s11 =	sadd.s32 $0xFFFFFFFF, s31;
	s4 =	sadd.s32 s5, s4;
	s5 =	simm.s32 $0x100;
	v6 =	vld [tilespmem:$0x30]  }
.LBB2_1:
0x1a: {  	p0 =	sne.s32 s11, $0x1;
	s11 =	sadd.s32 $0xFFFFFFFF, s11;
	v7 =	vld [tilespmem:$0xA0];
	v2 =	vadd.f32 v4, v2  }
0x1b: {  	v4 =	vld [tilespmem:$0x90];
	v3 =	vadd.f32 v3, v5  }
0x1c: {  	v5 =	vld [tilespmem:$0xB0];
	[tilespmem:$0x150] =	vst v2  }
0x1d: {  	v2 =	vld [tilespmem:$0x60];
	[tilespmem:$0x170] =	vst v3  }
0x1e: {  	v3 =	vld [tilespmem:$0x20]  }
0x1f: {  	v8 =	vld [tilespmem:$0x40]  }
0x20: {  	v9 =	vld [tilespmem:$0x0]  }
0x21: {  	v10 =	vld [tilespmem:$0x10];
	v5 =	vadd.f32 v5, v6  }
0x22: {  	v6 =	vld [tilespmem:$0x80];
	v1 =	vadd.f32 v1, v2  }
0x23: {  	v2 =	vadd.f32 v7, v3;
	[tilespmem:$0x130] =	vst v5  }
0x24: {  	v0 =	vadd.f32 v0, v8;
	[tilespmem:$0x160] =	vst v1  }
0x25: {  	[tilespmem:$0x120] =	vst v2  }
0x26: {  	v1 =	vadd.f32 v4, v10;
	[tilespmem:$0x140] =	vst v0  }
0x27: {  	v0 =	vadd.f32 v6, v9  }
0x28: {  	[tilespmem:$0x110] =	vst v1  }
0x29: {  	[tilespmem:$0x100] =	vst v0  }
0x2a: {  	[hbm4b:s9+s2] =	stream.linear.scatter [tilespmem:s5], [sflag:$0x1], $0x80, $0x38;
	[tilespmem:$0x180] =	vst v63  }
0x2b: {  	_ =	swait.ge [sflag:s3], $0x80  }
0x2c: {  	[sflag:s3] =	ssyncset.done $0x0  }
0x2d: {  	[sflag:s3] =	ssyncadd.s32 $0xFFFFFF80  }
0x2e: {  	[tilespmem:s2], [sflag:$0x1] =	stream.linear.gather [hbm4b:s6+s2], $0x80, $0x38;
	[tilespmem:$0x180] =	vst v63  }
0x2f: {  	_ =	swait.ge [sflag:s3], $0x80  }
0x30: {  	[sflag:s3] =	ssyncset.done $0x0  }
0x31: {  	[sflag:s3] =	ssyncadd.s32 $0xFFFFFF80  }
0x32: {  	[tilespmem:s7], [sflag:$0x1] =	stream.linear.gather [hbm4b:s8+s2], $0x80, $0x38;
	[tilespmem:$0x180] =	vst v63  }
0x33: {  	_ =	swait.ge [sflag:s3], $0x80  }
0x34: {  	[sflag:s3] =	ssyncset.done $0x0  }
0x35: {  	[sflag:s3] =	ssyncadd.s32 $0xFFFFFF80  }
0x36: {  	v0 =	vld [tilespmem:$0x0]  }
0x37: {  	v1 =	vld [tilespmem:$0x80]  }
0x38: {  	v2 =	vld [tilespmem:$0x10]  }
0x39: {  	v3 =	vld [tilespmem:$0x90]  }
0x3a: {  	v4 =	vld [tilespmem:$0x20]  }
0x3b: {  	v5 =	vld [tilespmem:$0xA0]  }
0x3c: {  	v0 =	vadd.f32 v1, v0;
	v1 =	vld [tilespmem:$0x30]  }
0x3d: {  	v6 =	vld [tilespmem:$0xB0]  }
0x3e: {  	[tilespmem:$0x100] =	vst v0;
	v0 =	vadd.f32 v3, v2;
	v2 =	vld [tilespmem:$0x50]  }
0x3f: {  	v3 =	vld [tilespmem:$0xD0]  }
0x40: {  	[tilespmem:$0x110] =	vst v0;
	v0 =	vadd.f32 v5, v4;
	v4 =	vld [tilespmem:$0x60]  }
0x41: {  	v5 =	vld [tilespmem:$0xC0]  }
0x42: {  	[tilespmem:$0x120] =	vst v0;
	v0 =	vadd.f32 v6, v1;
	v1 =	vld [tilespmem:$0x70]  }
0x43: {  	v6 =	vld [tilespmem:$0xF0]  }
0x44: {  	[tilespmem:$0x130] =	vst v0;
	v0 =	vld [tilespmem:$0x40];
	v2 =	vadd.f32 v3, v2  }
0x45: {  	v3 =	vld [tilespmem:$0xE0]  }
0x46: {  	[tilespmem:$0x150] =	vst v2;
	_ =	sdelay $0x1  }
0x47: {  	v1 =	vadd.f32 v6, v1  }
0x48: {  	v0 =	vadd.f32 v5, v0  }
0x49: {  	v2 =	vadd.f32 v3, v4;
	[tilespmem:$0x170] =	vst v1  }
0x4a: {  	[tilespmem:$0x140] =	vst v0  }
0x4b: {  	[tilespmem:$0x160] =	vst v2  }
0x4c: {  	[hbm4b:s4+s2] =	stream.linear.scatter [tilespmem:s5], [sflag:$0x1], $0x80, $0x38;
	[tilespmem:$0x180] =	vst v63  }
0x4d: {  	_ =	swait.ge [sflag:s3], $0x80  }
0x4e: {  	[sflag:s3] =	ssyncset.done $0x0  }
0x4f: {  	[sflag:s3] =	ssyncadd.s32 $0xFFFFFF80;
	_ =	sdelay $0x3  }
0x50: {  	[tilespmem:s2], [sflag:$0x1] =	stream.linear.gather [hbm4b:s6+s2], $0x80, $0x38;
	[tilespmem:$0x180] =	vst v63  }
0x51: {  	_ =	swait.ge [sflag:s3], $0x80  }
0x52: {  	[sflag:s3] =	ssyncset.done $0x0  }
0x53: {  	[sflag:s3] =	ssyncadd.s32 $0xFFFFFF80  }
0x54: {  	[tilespmem:s7], [sflag:$0x1] =	stream.linear.gather [hbm4b:s10+s2], $0x80, $0x38;
	[tilespmem:$0x180] =	vst v63  }
0x55: {  	_ =	swait.ge [sflag:s3], $0x80  }
0x56: {  	[sflag:s3] =	ssyncset.done $0x0  }
0x57: {  	[sflag:s3] =	ssyncadd.s32 $0xFFFFFF80  }
0x58: {  	v2 =	vld [tilespmem:$0x50]  }
0x59: {  	v3 =	vld [tilespmem:$0xF0]  }
.Ltmp1:
0x5a: {  	v4 =	vld [tilespmem:$0xD0];
	(pc) =	sbr.rel @p0 .LBB2_1-.Ltmp1, $4  }
0x5b: {  	v5 =	vld [tilespmem:$0x70]  }
0x5c: {  	v0 =	vld [tilespmem:$0xC0]  }
0x5d: {  	v1 =	vld [tilespmem:$0xE0]  }
0x5e: {  	v6 =	vld [tilespmem:$0x30]  }
.LBB2_2:
0x5f: {  	v7 =	vld [tilespmem:$0xA0]  }
0x60: {  	v8 =	vld [tilespmem:$0x90]  }
0x61: {  	v9 =	vld [tilespmem:$0xB0]  }
0x62: {  	v10 =	vld [tilespmem:$0x60]  }
0x63: {  	v11 =	vld [tilespmem:$0x20]  }
0x64: {  	v12 =	vld [tilespmem:$0x40]  }
0x65: {  	v2 =	vadd.f32 v4, v2;
	v36 =	vld [tilespmem:$0x0]  }
0x66: {  	v37 =	vld [tilespmem:$0x10];
	v3 =	vadd.f32 v3, v5  }
0x67: {  	v39 =	vld [tilespmem:$0x80];
	[tilespmem:$0x150] =	vst v2;
	v38 =	vadd.f32 v9, v6  }
0x68: {  	[tilespmem:$0x170] =	vst v3;
	v1 =	vadd.f32 v1, v10  }
0x69: {  	v40 =	vadd.f32 v7, v11;
	[tilespmem:$0x130] =	vst v38  }
0x6a: {  	v0 =	vadd.f32 v0, v12;
	[tilespmem:$0x160] =	vst v1  }
0x6b: {  	v41 =	vadd.f32 v8, v37;
	[tilespmem:$0x120] =	vst v40  }
0x6c: {  	v42 =	vadd.f32 v39, v36;
	[tilespmem:$0x140] =	vst v0  }
0x6d: {  	[tilespmem:$0x110] =	vst v41  }
0x6e: {  	[tilespmem:$0x100] =	vst v42  }
0x6f: {  	[hbm4b:s9+s2] =	stream.linear.scatter [tilespmem:s5], [sflag:$0x1], $0x80, $0x38;
	[tilespmem:$0x180] =	vst v63  }
0x70: {  	_ =	swait.ge [sflag:s3], $0x80  }
0x71: {  	[sflag:s3] =	ssyncset.done $0x0  }
0x72: {  	[sflag:s3] =	ssyncadd.s32 $0xFFFFFF80  }
0x73: {  	[tilespmem:s2], [sflag:$0x1] =	stream.linear.gather [hbm4b:s6+s2], $0x80, $0x38;
	[tilespmem:$0x180] =	vst v63  }
0x74: {  	_ =	swait.ge [sflag:s3], $0x80  }
0x75: {  	[sflag:s3] =	ssyncset.done $0x0  }
0x76: {  	[sflag:s3] =	ssyncadd.s32 $0xFFFFFF80  }
0x77: {  	[tilespmem:s7], [sflag:$0x1] =	stream.linear.gather [hbm4b:s8+s2], $0x80, $0x38;
	[tilespmem:$0x180] =	vst v63  }
0x78: {  	_ =	swait.ge [sflag:s3], $0x80  }
0x79: {  	[sflag:s3] =	ssyncset.done $0x0  }
0x7a: {  	[sflag:s3] =	ssyncadd.s32 $0xFFFFFF80  }
0x7b: {  	v43 =	vld [tilespmem:$0x0]  }
0x7c: {  	v44 =	vld [tilespmem:$0x80]  }
0x7d: {  	v45 =	vld [tilespmem:$0x10]  }
0x7e: {  	v46 =	vld [tilespmem:$0x90]  }
0x7f: {  	v47 =	vld [tilespmem:$0x20]  }
0x80: {  	v48 =	vld [tilespmem:$0xA0]  }
0x81: {  	v49 =	vld [tilespmem:$0x30]  }
0x82: {  	v50 =	vld [tilespmem:$0xB0]  }
0x83: {  	v51 =	vld [tilespmem:$0x50]  }
0x84: {  	v52 =	vld [tilespmem:$0xD0]  }
0x85: {  	v53 =	vld [tilespmem:$0x60]  }
0x86: {  	v54 =	vld [tilespmem:$0xC0]  }
0x87: {  	v55 =	vld [tilespmem:$0x70]  }
0x88: {  	v56 =	vld [tilespmem:$0xF0];
	v0 =	vadd.f32 v44, v43  }
0x89: {  	v57 =	vld [tilespmem:$0x40];
	v2 =	vadd.f32 v46, v45  }
0x8a: {  	v59 =	vld [tilespmem:$0xE0];
	v58 =	vadd.f32 v48, v47;
	[tilespmem:$0x100] =	vst v0  }
0x8b: {  	v60 =	vadd.f32 v50, v49;
	[tilespmem:$0x110] =	vst v2  }
0x8c: {  	v61 =	vadd.f32 v52, v51;
	[tilespmem:$0x120] =	vst v58  }
0x8d: {  	v1 =	vadd.f32 v56, v55;
	[tilespmem:$0x130] =	vst v60  }
0x8e: {  	v62 =	vadd.f32 v54, v57;
	[tilespmem:$0x150] =	vst v61  }
0x8f: {  	v63 =	vadd.f32 v59, v53;
	[tilespmem:$0x170] =	vst v1  }
0x90: {  	[tilespmem:$0x140] =	vst v62  }
0x91: {  	[tilespmem:$0x160] =	vst v63  }
0x92: {  	[hbm4b:s4+s2] =	stream.linear.scatter [tilespmem:s5], [sflag:$0x1], $0x80, $0x38;
	[tilespmem:$0x180] =	vst v63  }
0x93: {  	_ =	swait.ge [sflag:s3], $0x80  }
0x94: {  	[sflag:s3] =	ssyncset.done $0x0  }
0x95: {  	[sflag:s3] =	ssyncadd.s32 $0xFFFFFF80  }
0x96: {  	_ =	sfence.sel $0x180000  }
0x97: {  	[bflag:$0x0] =	sbarrier.arrive $0xFFFF  }
0x98: {  	p0 =	sne.s32 s1, $0x0;
	_ =	strace $0x90000047  }
0x99: {  	s0 =	sadd.s32 @!p0 $0x100000, s0;
	[bflag:$0x2] =	sbarrier.arrive $0xFFFF  }
0x9a: {  	[sflag:s0] =	ssyncadd.tile.s32 @!p0 $0x1;
	_ =	shalt  }
.Lfunc_end2:
_tile_overlayer_lowered:
.L_overlay_start_2:
0x9b: {  	(tag) =	ssettag $0x2  }
0x9c: {  	s0 =	rddreg [dreg:$0x0];
	s2 =	stileid.u32  }
0x9d: {  	s1 =	rddreg [dreg:$0x1];
	p0 =	sne.s32 s2, $0x0  }
0x9e: {  	s3 =	rddreg [dreg:$0x2];
	[bflag:$0x3] =	sbarrier.arrive $0xFFFF;
	s2 =	simm.s32 @!p0 $0x1C01  }
0x9f: {  	[timem:s3], [sflag:s2] =	dma.local @!p0 [hbm:s0], s1  }
0xa0: {  	s0 =	simm.s32 @!p0 $0x1  }
0xa1: {  	_ =	swait.ge @!p0 [sflag:s0], s1  }
0xa2: {  	s1 =	ssub.s32 @!p0 $0x0, s1;
	[sflag:s0] =	ssyncset.done @!p0 $0x0  }
0xa3: {  	[sflag:s0] =	ssyncadd.s32 @!p0 s1  }
0xa4: {  	[bflag:$0x3] =	sbarrier.arrive $0xFFFF  }
0xa5: {  	_ =	shalt  }

</sc_bundles>
